<compile_context>
chip_gen: v7x
topology: tpu7x:2x2x1
jax: 0.10.2.dev20260603
libtpu: 0.0.44.dev20260713+nightly
codegen_flags: <defaults>
</compile_context>

<pallas_src>
import jax
import jax.numpy as jnp
from jax import lax
from jax.experimental import pallas as pl
from jax.experimental.pallas import tpu as pltpu
from jax.experimental.pallas import tpu_sc as plsc

_COL = 42
_ROWS = 16384
_NCOLS = 100
_INFO = plsc.get_sparse_core_info()
_NC = _INFO.num_cores
_NS = _INFO.num_subcores
_NW = _NC * _NS
_RPW = _ROWS // _NW


def _sc_select_column(x):
    mesh = plsc.VectorSubcoreMesh(core_axis_name="c", subcore_axis_name="s")

    @pl.kernel(
        out_type=jax.ShapeDtypeStruct((_ROWS,), jnp.float32),
        mesh=mesh,
        compiler_params=pltpu.CompilerParams(
            needs_layout_passes=False,
        ),
        scratch_types=[
            pltpu.VMEM((_RPW, _NCOLS), jnp.float32),
            pltpu.VMEM((_RPW,), jnp.float32),
        ],
    )
    def k(x_hbm, out_hbm, slab_v, out_v):
        wid = lax.axis_index("s") * _NC + lax.axis_index("c")
        base = wid * _RPW
        pltpu.sync_copy(x_hbm.at[pl.ds(base, _RPW)], slab_v)
        cols = jnp.full((16,), _COL, jnp.int32)
        for j in range(_RPW // 16):
            rows = lax.iota(jnp.int32, 16) + j * 16
            v = plsc.load_gather(slab_v, [rows, cols])
            out_v[pl.ds(j * 16, 16)] = v
        pltpu.sync_copy(out_v, out_hbm.at[pl.ds(base, _RPW)])

    return k(x)


def kernel(x):
    if x.ndim == 1:
        x = x[None, :]
    return _sc_select_column(x.astype(jnp.float32)).reshape(_ROWS, 1)

# --- scband reference (transcript-rebuilt; emitter-appended) ---
"""Pipeline reference for scband-literal-node-module-13657996001341 (READ-ONLY COPY).

The authoritative reference and input builder live on the scoring server;
editing this copy changes nothing except your own understanding.
"""

import jax, jax.numpy as jnp
import numpy as np

INPUT_INDEX = 42

def setup_inputs(seed: int = 0) -> dict:
    key = jax.random.key(seed)
    x = jax.random.normal(key, (16384, 100), dtype=jnp.float32)
    return {"x": x}

def reference(x) -> jnp.ndarray:
    # Faithful translation of LiteralNodeModule.forward:
    #   x = x.unsqueeze(0) if x.dim() == 1 else x
    #   result = x[:, self.input_index].unsqueeze(1)
    #   return result.float()
    if x.ndim == 1:
        x = x[None, :]
    result = x[:, INPUT_INDEX][:, None]
    return result.astype(jnp.float32)

if __name__ == "__main__":
    import jax
    _d = setup_inputs()
    print(jax.jit(kernel)(*tuple(_d.values())))

</pallas_src>

<mosaic_0001>
#map = affine_map<(d0, d1) -> (0, 0)>
#map1 = affine_map<(d0, d1) -> (0)>
module attributes {stable_mosaic.version = 14 : i64} {
  func.func @k(%arg0: i32, %arg1: i32, %arg2: memref<16384x100xf32, #tpu.memory_space<hbm>>, %arg3: memref<16384xf32, #tpu.memory_space<hbm>>, %arg4: memref<512x100xf32, #tpu.memory_space<vmem>>, %arg5: memref<512xf32, #tpu.memory_space<vmem>>) attributes {dimension_semantics = [#tpu.dimension_semantics<core_parallel>, #tpu.dimension_semantics<subcore_parallel>], iteration_bounds = array<i64: 2, 16>, scalar_prefetch = 0 : i64, scratch_operands = 2 : i64, tpu.core_type = #tpu.core_type<sc_vector_subcore>, window_params = [{transform_indices = #map}, {transform_indices = #map1}]} {
    %mul3A = arith.constant 2 : i32
    %mul3A_0 = arith.muli %arg1, %mul3A : i32
    %add3A = arith.addi %mul3A_0, %arg0 : i32
    %mul3A_1 = arith.constant 512 : i32
    %mul3A_2 = arith.muli %add3A, %mul3A_1 : i32
    "tpu.region"() ({
      %run_scoped3A = tpu.sem_alloc : memref<!tpu.dma_semaphore, #tpu.memory_space<semaphore_mem>>
      %dma_start3A = arith.constant 0 : i32
      %dma_start3A_225 = tpu.memref_slice %arg2[%mul3A_2, %dma_start3A] : memref<16384x100xf32, #tpu.memory_space<hbm>> -> memref<512x100xf32, #tpu.memory_space<hbm>>
      %dma_start3A_226 = arith.constant 0 : i32
      %dma_start3A_227 = tpu.memref_slice %arg2[%mul3A_2, %dma_start3A_226] : memref<16384x100xf32, #tpu.memory_space<hbm>> -> memref<512x100xf32, #tpu.memory_space<hbm>>
      tpu.enqueue_dma source(%dma_start3A_227 : memref<512x100xf32, #tpu.memory_space<hbm>>) target(%arg4 : memref<512x100xf32, #tpu.memory_space<vmem>>) target_semaphore(%run_scoped3A : memref<!tpu.dma_semaphore, #tpu.memory_space<semaphore_mem>>)
      %dma_wait3A = arith.constant 0 : i32
      %dma_wait3A_228 = tpu.memref_slice %arg2[%mul3A_2, %dma_wait3A] : memref<16384x100xf32, #tpu.memory_space<hbm>> -> memref<512x100xf32, #tpu.memory_space<hbm>>
      %dma_wait3A_229 = arith.constant 0 : i32
      %dma_wait3A_230 = tpu.memref_slice %arg2[%mul3A_2, %dma_wait3A_229] : memref<16384x100xf32, #tpu.memory_space<hbm>> -> memref<512x100xf32, #tpu.memory_space<hbm>>
      tpu.wait_dma2 semaphore(%run_scoped3A : memref<!tpu.dma_semaphore, #tpu.memory_space<semaphore_mem>>) src(%dma_wait3A_230 : memref<512x100xf32, #tpu.memory_space<hbm>>) dst(%arg4 : memref<512x100xf32, #tpu.memory_space<vmem>>)
      tpu.yield
    }) : () -> ()
    %broadcast_in_dim3A = arith.constant 42 : i32
    %broadcast_in_dim3A_3 = vector.broadcast %broadcast_in_dim3A : i32 to vector<16xi32>
    %iota3A = tpu.iota {dimensions = array<i32: 0>} : vector<16xi32>
    %add3A_4 = arith.constant 0 : i32
    %add3A_5 = vector.broadcast %add3A_4 : i32 to vector<16xi32>
    %add3A_6 = arith.addi %iota3A, %add3A_5 : vector<16xi32>
    %gather3A = tpu.vector_load_idx %arg4[%add3A_6, %broadcast_in_dim3A_3] : memref<512x100xf32, #tpu.memory_space<vmem>>[vector<16xi32>, vector<16xi32>], vector<16xf32>,
    %swap3A = arith.constant 0 : index
    %swap3A_7 = tpu.vector_load %arg5[%swap3A] {strides = array<i32>} : memref<512xf32, #tpu.memory_space<vmem>>, vector<16xf32>,
    tpu.vector_store %arg5[%swap3A], %gather3A {strides = array<i32>} : memref<512xf32, #tpu.memory_space<vmem>>, vector<16xf32>,
    %iota3A_8 = tpu.iota {dimensions = array<i32: 0>} : vector<16xi32>
    %add3A_9 = arith.constant 16 : i32
    %add3A_10 = vector.broadcast %add3A_9 : i32 to vector<16xi32>
    %add3A_11 = arith.addi %iota3A_8, %add3A_10 : vector<16xi32>
    %gather3A_12 = tpu.vector_load_idx %arg4[%add3A_11, %broadcast_in_dim3A_3] : memref<512x100xf32, #tpu.memory_space<vmem>>[vector<16xi32>, vector<16xi32>], vector<16xf32>,
    %swap3A_13 = arith.constant 16 : index
    %swap3A_14 = tpu.vector_load %arg5[%swap3A_13] {strides = array<i32>} : memref<512xf32, #tpu.memory_space<vmem>>, vector<16xf32>,
    tpu.vector_store %arg5[%swap3A_13], %gather3A_12 {strides = array<i32>} : memref<512xf32, #tpu.memory_space<vmem>>, vector<16xf32>,
    %iota3A_15 = tpu.iota {dimensions = array<i32: 0>} : vector<16xi32>
    %add3A_16 = arith.constant 32 : i32
    %add3A_17 = vector.broadcast %add3A_16 : i32 to vector<16xi32>
    %add3A_18 = arith.addi %iota3A_15, %add3A_17 : vector<16xi32>
    %gather3A_19 = tpu.vector_load_idx %arg4[%add3A_18, %broadcast_in_dim3A_3] : memref<512x100xf32, #tpu.memory_space<vmem>>[vector<16xi32>, vector<16xi32>], vector<16xf32>,
    %swap3A_20 = arith.constant 32 : index
    %swap3A_21 = tpu.vector_load %arg5[%swap3A_20] {strides = array<i32>} : memref<512xf32, #tpu.memory_space<vmem>>, vector<16xf32>,
    tpu.vector_store %arg5[%swap3A_20], %gather3A_19 {strides = array<i32>} : memref<512xf32, #tpu.memory_space<vmem>>, vector<16xf32>,
    %iota3A_22 = tpu.iota {dimensions = array<i32: 0>} : vector<16xi32>
    %add3A_23 = arith.constant 48 : i32
    %add3A_24 = vector.broadcast %add3A_23 : i32 to vector<16xi32>
    %add3A_25 = arith.addi %iota3A_22, %add3A_24 : vector<16xi32>
    %gather3A_26 = tpu.vector_load_idx %arg4[%add3A_25, %broadcast_in_dim3A_3] : memref<512x100xf32, #tpu.memory_space<vmem>>[vector<16xi32>, vector<16xi32>], vector<16xf32>,
    %swap3A_27 = arith.constant 48 : index
    %swap3A_28 = tpu.vector_load %arg5[%swap3A_27] {strides = array<i32>} : memref<512xf32, #tpu.memory_space<vmem>>, vector<16xf32>,
    tpu.vector_store %arg5[%swap3A_27], %gather3A_26 {strides = array<i32>} : memref<512xf32, #tpu.memory_space<vmem>>, vector<16xf32>,
    %iota3A_29 = tpu.iota {dimensions = array<i32: 0>} : vector<16xi32>
    %add3A_30 = arith.constant 64 : i32
    %add3A_31 = vector.broadcast %add3A_30 : i32 to vector<16xi32>
    %add3A_32 = arith.addi %iota3A_29, %add3A_31 : vector<16xi32>
    %gather3A_33 = tpu.vector_load_idx %arg4[%add3A_32, %broadcast_in_dim3A_3] : memref<512x100xf32, #tpu.memory_space<vmem>>[vector<16xi32>, vector<16xi32>], vector<16xf32>,
    %swap3A_34 = arith.constant 64 : index
    %swap3A_35 = tpu.vector_load %arg5[%swap3A_34] {strides = array<i32>} : memref<512xf32, #tpu.memory_space<vmem>>, vector<16xf32>,
    tpu.vector_store %arg5[%swap3A_34], %gather3A_33 {strides = array<i32>} : memref<512xf32, #tpu.memory_space<vmem>>, vector<16xf32>,
    %iota3A_36 = tpu.iota {dimensions = array<i32: 0>} : vector<16xi32>
    %add3A_37 = arith.constant 80 : i32
    %add3A_38 = vector.broadcast %add3A_37 : i32 to vector<16xi32>
    %add3A_39 = arith.addi %iota3A_36, %add3A_38 : vector<16xi32>
    %gather3A_40 = tpu.vector_load_idx %arg4[%add3A_39, %broadcast_in_dim3A_3] : memref<512x100xf32, #tpu.memory_space<vmem>>[vector<16xi32>, vector<16xi32>], vector<16xf32>,
    %swap3A_41 = arith.constant 80 : index
    %swap3A_42 = tpu.vector_load %arg5[%swap3A_41] {strides = array<i32>} : memref<512xf32, #tpu.memory_space<vmem>>, vector<16xf32>,
    tpu.vector_store %arg5[%swap3A_41], %gather3A_40 {strides = array<i32>} : memref<512xf32, #tpu.memory_space<vmem>>, vector<16xf32>,
    %iota3A_43 = tpu.iota {dimensions = array<i32: 0>} : vector<16xi32>
    %add3A_44 = arith.constant 96 : i32
    %add3A_45 = vector.broadcast %add3A_44 : i32 to vector<16xi32>
    %add3A_46 = arith.addi %iota3A_43, %add3A_45 : vector<16xi32>
    %gather3A_47 = tpu.vector_load_idx %arg4[%add3A_46, %broadcast_in_dim3A_3] : memref<512x100xf32, #tpu.memory_space<vmem>>[vector<16xi32>, vector<16xi32>], vector<16xf32>,
    %swap3A_48 = arith.constant 96 : index
    %swap3A_49 = tpu.vector_load %arg5[%swap3A_48] {strides = array<i32>} : memref<512xf32, #tpu.memory_space<vmem>>, vector<16xf32>,
    tpu.vector_store %arg5[%swap3A_48], %gather3A_47 {strides = array<i32>} : memref<512xf32, #tpu.memory_space<vmem>>, vector<16xf32>,
    %iota3A_50 = tpu.iota {dimensions = array<i32: 0>} : vector<16xi32>
    %add3A_51 = arith.constant 112 : i32
    %add3A_52 = vector.broadcast %add3A_51 : i32 to vector<16xi32>
    %add3A_53 = arith.addi %iota3A_50, %add3A_52 : vector<16xi32>
    %gather3A_54 = tpu.vector_load_idx %arg4[%add3A_53, %broadcast_in_dim3A_3] : memref<512x100xf32, #tpu.memory_space<vmem>>[vector<16xi32>, vector<16xi32>], vector<16xf32>,
    %swap3A_55 = arith.constant 112 : index
    %swap3A_56 = tpu.vector_load %arg5[%swap3A_55] {strides = array<i32>} : memref<512xf32, #tpu.memory_space<vmem>>, vector<16xf32>,
    tpu.vector_store %arg5[%swap3A_55], %gather3A_54 {strides = array<i32>} : memref<512xf32, #tpu.memory_space<vmem>>, vector<16xf32>,
    %iota3A_57 = tpu.iota {dimensions = array<i32: 0>} : vector<16xi32>
    %add3A_58 = arith.constant 128 : i32
    %add3A_59 = vector.broadcast %add3A_58 : i32 to vector<16xi32>
    %add3A_60 = arith.addi %iota3A_57, %add3A_59 : vector<16xi32>
    %gather3A_61 = tpu.vector_load_idx %arg4[%add3A_60, %broadcast_in_dim3A_3] : memref<512x100xf32, #tpu.memory_space<vmem>>[vector<16xi32>, vector<16xi32>], vector<16xf32>,
    %swap3A_62 = arith.constant 128 : index
    %swap3A_63 = tpu.vector_load %arg5[%swap3A_62] {strides = array<i32>} : memref<512xf32, #tpu.memory_space<vmem>>, vector<16xf32>,
    tpu.vector_store %arg5[%swap3A_62], %gather3A_61 {strides = array<i32>} : memref<512xf32, #tpu.memory_space<vmem>>, vector<16xf32>,
    %iota3A_64 = tpu.iota {dimensions = array<i32: 0>} : vector<16xi32>
    %add3A_65 = arith.constant 144 : i32
    %add3A_66 = vector.broadcast %add3A_65 : i32 to vector<16xi32>
    %add3A_67 = arith.addi %iota3A_64, %add3A_66 : vector<16xi32>
    %gather3A_68 = tpu.vector_load_idx %arg4[%add3A_67, %broadcast_in_dim3A_3] : memref<512x100xf32, #tpu.memory_space<vmem>>[vector<16xi32>, vector<16xi32>], vector<16xf32>,
    %swap3A_69 = arith.constant 144 : index
    %swap3A_70 = tpu.vector_load %arg5[%swap3A_69] {strides = array<i32>} : memref<512xf32, #tpu.memory_space<vmem>>, vector<16xf32>,
    tpu.vector_store %arg5[%swap3A_69], %gather3A_68 {strides = array<i32>} : memref<512xf32, #tpu.memory_space<vmem>>, vector<16xf32>,
    %iota3A_71 = tpu.iota {dimensions = array<i32: 0>} : vector<16xi32>
    %add3A_72 = arith.constant 160 : i32
    %add3A_73 = vector.broadcast %add3A_72 : i32 to vector<16xi32>
    %add3A_74 = arith.addi %iota3A_71, %add3A_73 : vector<16xi32>
    %gather3A_75 = tpu.vector_load_idx %arg4[%add3A_74, %broadcast_in_dim3A_3] : memref<512x100xf32, #tpu.memory_space<vmem>>[vector<16xi32>, vector<16xi32>], vector<16xf32>,
    %swap3A_76 = arith.constant 160 : index
    %swap3A_77 = tpu.vector_load %arg5[%swap3A_76] {strides = array<i32>} : memref<512xf32, #tpu.memory_space<vmem>>, vector<16xf32>,
    tpu.vector_store %arg5[%swap3A_76], %gather3A_75 {strides = array<i32>} : memref<512xf32, #tpu.memory_space<vmem>>, vector<16xf32>,
    %iota3A_78 = tpu.iota {dimensions = array<i32: 0>} : vector<16xi32>
    %add3A_79 = arith.constant 176 : i32
    %add3A_80 = vector.broadcast %add3A_79 : i32 to vector<16xi32>
    %add3A_81 = arith.addi %iota3A_78, %add3A_80 : vector<16xi32>
    %gather3A_82 = tpu.vector_load_idx %arg4[%add3A_81, %broadcast_in_dim3A_3] : memref<512x100xf32, #tpu.memory_space<vmem>>[vector<16xi32>, vector<16xi32>], vector<16xf32>,
    %swap3A_83 = arith.constant 176 : index
    %swap3A_84 = tpu.vector_load %arg5[%swap3A_83] {strides = array<i32>} : memref<512xf32, #tpu.memory_space<vmem>>, vector<16xf32>,
    tpu.vector_store %arg5[%swap3A_83], %gather3A_82 {strides = array<i32>} : memref<512xf32, #tpu.memory_space<vmem>>, vector<16xf32>,
    %iota3A_85 = tpu.iota {dimensions = array<i32: 0>} : vector<16xi32>
    %add3A_86 = arith.constant 192 : i32
    %add3A_87 = vector.broadcast %add3A_86 : i32 to vector<16xi32>
    %add3A_88 = arith.addi %iota3A_85, %add3A_87 : vector<16xi32>
    %gather3A_89 = tpu.vector_load_idx %arg4[%add3A_88, %broadcast_in_dim3A_3] : memref<512x100xf32, #tpu.memory_space<vmem>>[vector<16xi32>, vector<16xi32>], vector<16xf32>,
    %swap3A_90 = arith.constant 192 : index
    %swap3A_91 = tpu.vector_load %arg5[%swap3A_90] {strides = array<i32>} : memref<512xf32, #tpu.memory_space<vmem>>, vector<16xf32>,
    tpu.vector_store %arg5[%swap3A_90], %gather3A_89 {strides = array<i32>} : memref<512xf32, #tpu.memory_space<vmem>>, vector<16xf32>,
    %iota3A_92 = tpu.iota {dimensions = array<i32: 0>} : vector<16xi32>
    %add3A_93 = arith.constant 208 : i32
    %add3A_94 = vector.broadcast %add3A_93 : i32 to vector<16xi32>
    %add3A_95 = arith.addi %iota3A_92, %add3A_94 : vector<16xi32>
    %gather3A_96 = tpu.vector_load_idx %arg4[%add3A_95, %broadcast_in_dim3A_3] : memref<512x100xf32, #tpu.memory_space<vmem>>[vector<16xi32>, vector<16xi32>], vector<16xf32>,
    %swap3A_97 = arith.constant 208 : index
    %swap3A_98 = tpu.vector_load %arg5[%swap3A_97] {strides = array<i32>} : memref<512xf32, #tpu.memory_space<vmem>>, vector<16xf32>,
    tpu.vector_store %arg5[%swap3A_97], %gather3A_96 {strides = array<i32>} : memref<512xf32, #tpu.memory_space<vmem>>, vector<16xf32>,
    %iota3A_99 = tpu.iota {dimensions = array<i32: 0>} : vector<16xi32>
    %add3A_100 = arith.constant 224 : i32
    %add3A_101 = vector.broadcast %add3A_100 : i32 to vector<16xi32>
    %add3A_102 = arith.addi %iota3A_99, %add3A_101 : vector<16xi32>
    %gather3A_103 = tpu.vector_load_idx %arg4[%add3A_102, %broadcast_in_dim3A_3] : memref<512x100xf32, #tpu.memory_space<vmem>>[vector<16xi32>, vector<16xi32>], vector<16xf32>,
    %swap3A_104 = arith.constant 224 : index
    %swap3A_105 = tpu.vector_load %arg5[%swap3A_104] {strides = array<i32>} : memref<512xf32, #tpu.memory_space<vmem>>, vector<16xf32>,
    tpu.vector_store %arg5[%swap3A_104], %gather3A_103 {strides = array<i32>} : memref<512xf32, #tpu.memory_space<vmem>>, vector<16xf32>,
    %iota3A_106 = tpu.iota {dimensions = array<i32: 0>} : vector<16xi32>
    %add3A_107 = arith.constant 240 : i32
    %add3A_108 = vector.broadcast %add3A_107 : i32 to vector<16xi32>
    %add3A_109 = arith.addi %iota3A_106, %add3A_108 : vector<16xi32>
    %gather3A_110 = tpu.vector_load_idx %arg4[%add3A_109, %broadcast_in_dim3A_3] : memref<512x100xf32, #tpu.memory_space<vmem>>[vector<16xi32>, vector<16xi32>], vector<16xf32>,
    %swap3A_111 = arith.constant 240 : index
    %swap3A_112 = tpu.vector_load %arg5[%swap3A_111] {strides = array<i32>} : memref<512xf32, #tpu.memory_space<vmem>>, vector<16xf32>,
    tpu.vector_store %arg5[%swap3A_111], %gather3A_110 {strides = array<i32>} : memref<512xf32, #tpu.memory_space<vmem>>, vector<16xf32>,
    %iota3A_113 = tpu.iota {dimensions = array<i32: 0>} : vector<16xi32>
    %add3A_114 = arith.constant 256 : i32
    %add3A_115 = vector.broadcast %add3A_114 : i32 to vector<16xi32>
    %add3A_116 = arith.addi %iota3A_113, %add3A_115 : vector<16xi32>
    %gather3A_117 = tpu.vector_load_idx %arg4[%add3A_116, %broadcast_in_dim3A_3] : memref<512x100xf32, #tpu.memory_space<vmem>>[vector<16xi32>, vector<16xi32>], vector<16xf32>,
    %swap3A_118 = arith.constant 256 : index
    %swap3A_119 = tpu.vector_load %arg5[%swap3A_118] {strides = array<i32>} : memref<512xf32, #tpu.memory_space<vmem>>, vector<16xf32>,
    tpu.vector_store %arg5[%swap3A_118], %gather3A_117 {strides = array<i32>} : memref<512xf32, #tpu.memory_space<vmem>>, vector<16xf32>,
    %iota3A_120 = tpu.iota {dimensions = array<i32: 0>} : vector<16xi32>
    %add3A_121 = arith.constant 272 : i32
    %add3A_122 = vector.broadcast %add3A_121 : i32 to vector<16xi32>
    %add3A_123 = arith.addi %iota3A_120, %add3A_122 : vector<16xi32>
    %gather3A_124 = tpu.vector_load_idx %arg4[%add3A_123, %broadcast_in_dim3A_3] : memref<512x100xf32, #tpu.memory_space<vmem>>[vector<16xi32>, vector<16xi32>], vector<16xf32>,
    %swap3A_125 = arith.constant 272 : index
    %swap3A_126 = tpu.vector_load %arg5[%swap3A_125] {strides = array<i32>} : memref<512xf32, #tpu.memory_space<vmem>>, vector<16xf32>,
    tpu.vector_store %arg5[%swap3A_125], %gather3A_124 {strides = array<i32>} : memref<512xf32, #tpu.memory_space<vmem>>, vector<16xf32>,
    %iota3A_127 = tpu.iota {dimensions = array<i32: 0>} : vector<16xi32>
    %add3A_128 = arith.constant 288 : i32
    %add3A_129 = vector.broadcast %add3A_128 : i32 to vector<16xi32>
    %add3A_130 = arith.addi %iota3A_127, %add3A_129 : vector<16xi32>
    %gather3A_131 = tpu.vector_load_idx %arg4[%add3A_130, %broadcast_in_dim3A_3] : memref<512x100xf32, #tpu.memory_space<vmem>>[vector<16xi32>, vector<16xi32>], vector<16xf32>,
    %swap3A_132 = arith.constant 288 : index
    %swap3A_133 = tpu.vector_load %arg5[%swap3A_132] {strides = array<i32>} : memref<512xf32, #tpu.memory_space<vmem>>, vector<16xf32>,
    tpu.vector_store %arg5[%swap3A_132], %gather3A_131 {strides = array<i32>} : memref<512xf32, #tpu.memory_space<vmem>>, vector<16xf32>,
    %iota3A_134 = tpu.iota {dimensions = array<i32: 0>} : vector<16xi32>
    %add3A_135 = arith.constant 304 : i32
    %add3A_136 = vector.broadcast %add3A_135 : i32 to vector<16xi32>
    %add3A_137 = arith.addi %iota3A_134, %add3A_136 : vector<16xi32>
    %gather3A_138 = tpu.vector_load_idx %arg4[%add3A_137, %broadcast_in_dim3A_3] : memref<512x100xf32, #tpu.memory_space<vmem>>[vector<16xi32>, vector<16xi32>], vector<16xf32>,
    %swap3A_139 = arith.constant 304 : index
    %swap3A_140 = tpu.vector_load %arg5[%swap3A_139] {strides = array<i32>} : memref<512xf32, #tpu.memory_space<vmem>>, vector<16xf32>,
    tpu.vector_store %arg5[%swap3A_139], %gather3A_138 {strides = array<i32>} : memref<512xf32, #tpu.memory_space<vmem>>, vector<16xf32>,
    %iota3A_141 = tpu.iota {dimensions = array<i32: 0>} : vector<16xi32>
    %add3A_142 = arith.constant 320 : i32
    %add3A_143 = vector.broadcast %add3A_142 : i32 to vector<16xi32>
    %add3A_144 = arith.addi %iota3A_141, %add3A_143 : vector<16xi32>
    %gather3A_145 = tpu.vector_load_idx %arg4[%add3A_144, %broadcast_in_dim3A_3] : memref<512x100xf32, #tpu.memory_space<vmem>>[vector<16xi32>, vector<16xi32>], vector<16xf32>,
    %swap3A_146 = arith.constant 320 : index
    %swap3A_147 = tpu.vector_load %arg5[%swap3A_146] {strides = array<i32>} : memref<512xf32, #tpu.memory_space<vmem>>, vector<16xf32>,
    tpu.vector_store %arg5[%swap3A_146], %gather3A_145 {strides = array<i32>} : memref<512xf32, #tpu.memory_space<vmem>>, vector<16xf32>,
    %iota3A_148 = tpu.iota {dimensions = array<i32: 0>} : vector<16xi32>
    %add3A_149 = arith.constant 336 : i32
    %add3A_150 = vector.broadcast %add3A_149 : i32 to vector<16xi32>
    %add3A_151 = arith.addi %iota3A_148, %add3A_150 : vector<16xi32>
    %gather3A_152 = tpu.vector_load_idx %arg4[%add3A_151, %broadcast_in_dim3A_3] : memref<512x100xf32, #tpu.memory_space<vmem>>[vector<16xi32>, vector<16xi32>], vector<16xf32>,
    %swap3A_153 = arith.constant 336 : index
    %swap3A_154 = tpu.vector_load %arg5[%swap3A_153] {strides = array<i32>} : memref<512xf32, #tpu.memory_space<vmem>>, vector<16xf32>,
    tpu.vector_store %arg5[%swap3A_153], %gather3A_152 {strides = array<i32>} : memref<512xf32, #tpu.memory_space<vmem>>, vector<16xf32>,
    %iota3A_155 = tpu.iota {dimensions = array<i32: 0>} : vector<16xi32>
    %add3A_156 = arith.constant 352 : i32
    %add3A_157 = vector.broadcast %add3A_156 : i32 to vector<16xi32>
    %add3A_158 = arith.addi %iota3A_155, %add3A_157 : vector<16xi32>
    %gather3A_159 = tpu.vector_load_idx %arg4[%add3A_158, %broadcast_in_dim3A_3] : memref<512x100xf32, #tpu.memory_space<vmem>>[vector<16xi32>, vector<16xi32>], vector<16xf32>,
    %swap3A_160 = arith.constant 352 : index
    %swap3A_161 = tpu.vector_load %arg5[%swap3A_160] {strides = array<i32>} : memref<512xf32, #tpu.memory_space<vmem>>, vector<16xf32>,
    tpu.vector_store %arg5[%swap3A_160], %gather3A_159 {strides = array<i32>} : memref<512xf32, #tpu.memory_space<vmem>>, vector<16xf32>,
    %iota3A_162 = tpu.iota {dimensions = array<i32: 0>} : vector<16xi32>
    %add3A_163 = arith.constant 368 : i32
    %add3A_164 = vector.broadcast %add3A_163 : i32 to vector<16xi32>
    %add3A_165 = arith.addi %iota3A_162, %add3A_164 : vector<16xi32>
    %gather3A_166 = tpu.vector_load_idx %arg4[%add3A_165, %broadcast_in_dim3A_3] : memref<512x100xf32, #tpu.memory_space<vmem>>[vector<16xi32>, vector<16xi32>], vector<16xf32>,
    %swap3A_167 = arith.constant 368 : index
    %swap3A_168 = tpu.vector_load %arg5[%swap3A_167] {strides = array<i32>} : memref<512xf32, #tpu.memory_space<vmem>>, vector<16xf32>,
    tpu.vector_store %arg5[%swap3A_167], %gather3A_166 {strides = array<i32>} : memref<512xf32, #tpu.memory_space<vmem>>, vector<16xf32>,
    %iota3A_169 = tpu.iota {dimensions = array<i32: 0>} : vector<16xi32>
    %add3A_170 = arith.constant 384 : i32
    %add3A_171 = vector.broadcast %add3A_170 : i32 to vector<16xi32>
    %add3A_172 = arith.addi %iota3A_169, %add3A_171 : vector<16xi32>
    %gather3A_173 = tpu.vector_load_idx %arg4[%add3A_172, %broadcast_in_dim3A_3] : memref<512x100xf32, #tpu.memory_space<vmem>>[vector<16xi32>, vector<16xi32>], vector<16xf32>,
    %swap3A_174 = arith.constant 384 : index
    %swap3A_175 = tpu.vector_load %arg5[%swap3A_174] {strides = array<i32>} : memref<512xf32, #tpu.memory_space<vmem>>, vector<16xf32>,
    tpu.vector_store %arg5[%swap3A_174], %gather3A_173 {strides = array<i32>} : memref<512xf32, #tpu.memory_space<vmem>>, vector<16xf32>,
    %iota3A_176 = tpu.iota {dimensions = array<i32: 0>} : vector<16xi32>
    %add3A_177 = arith.constant 400 : i32
    %add3A_178 = vector.broadcast %add3A_177 : i32 to vector<16xi32>
    %add3A_179 = arith.addi %iota3A_176, %add3A_178 : vector<16xi32>
    %gather3A_180 = tpu.vector_load_idx %arg4[%add3A_179, %broadcast_in_dim3A_3] : memref<512x100xf32, #tpu.memory_space<vmem>>[vector<16xi32>, vector<16xi32>], vector<16xf32>,
    %swap3A_181 = arith.constant 400 : index
    %swap3A_182 = tpu.vector_load %arg5[%swap3A_181] {strides = array<i32>} : memref<512xf32, #tpu.memory_space<vmem>>, vector<16xf32>,
    tpu.vector_store %arg5[%swap3A_181], %gather3A_180 {strides = array<i32>} : memref<512xf32, #tpu.memory_space<vmem>>, vector<16xf32>,
    %iota3A_183 = tpu.iota {dimensions = array<i32: 0>} : vector<16xi32>
    %add3A_184 = arith.constant 416 : i32
    %add3A_185 = vector.broadcast %add3A_184 : i32 to vector<16xi32>
    %add3A_186 = arith.addi %iota3A_183, %add3A_185 : vector<16xi32>
    %gather3A_187 = tpu.vector_load_idx %arg4[%add3A_186, %broadcast_in_dim3A_3] : memref<512x100xf32, #tpu.memory_space<vmem>>[vector<16xi32>, vector<16xi32>], vector<16xf32>,
    %swap3A_188 = arith.constant 416 : index
    %swap3A_189 = tpu.vector_load %arg5[%swap3A_188] {strides = array<i32>} : memref<512xf32, #tpu.memory_space<vmem>>, vector<16xf32>,
    tpu.vector_store %arg5[%swap3A_188], %gather3A_187 {strides = array<i32>} : memref<512xf32, #tpu.memory_space<vmem>>, vector<16xf32>,
    %iota3A_190 = tpu.iota {dimensions = array<i32: 0>} : vector<16xi32>
    %add3A_191 = arith.constant 432 : i32
    %add3A_192 = vector.broadcast %add3A_191 : i32 to vector<16xi32>
    %add3A_193 = arith.addi %iota3A_190, %add3A_192 : vector<16xi32>
    %gather3A_194 = tpu.vector_load_idx %arg4[%add3A_193, %broadcast_in_dim3A_3] : memref<512x100xf32, #tpu.memory_space<vmem>>[vector<16xi32>, vector<16xi32>], vector<16xf32>,
    %swap3A_195 = arith.constant 432 : index
    %swap3A_196 = tpu.vector_load %arg5[%swap3A_195] {strides = array<i32>} : memref<512xf32, #tpu.memory_space<vmem>>, vector<16xf32>,
    tpu.vector_store %arg5[%swap3A_195], %gather3A_194 {strides = array<i32>} : memref<512xf32, #tpu.memory_space<vmem>>, vector<16xf32>,
    %iota3A_197 = tpu.iota {dimensions = array<i32: 0>} : vector<16xi32>
    %add3A_198 = arith.constant 448 : i32
    %add3A_199 = vector.broadcast %add3A_198 : i32 to vector<16xi32>
    %add3A_200 = arith.addi %iota3A_197, %add3A_199 : vector<16xi32>
    %gather3A_201 = tpu.vector_load_idx %arg4[%add3A_200, %broadcast_in_dim3A_3] : memref<512x100xf32, #tpu.memory_space<vmem>>[vector<16xi32>, vector<16xi32>], vector<16xf32>,
    %swap3A_202 = arith.constant 448 : index
    %swap3A_203 = tpu.vector_load %arg5[%swap3A_202] {strides = array<i32>} : memref<512xf32, #tpu.memory_space<vmem>>, vector<16xf32>,
    tpu.vector_store %arg5[%swap3A_202], %gather3A_201 {strides = array<i32>} : memref<512xf32, #tpu.memory_space<vmem>>, vector<16xf32>,
    %iota3A_204 = tpu.iota {dimensions = array<i32: 0>} : vector<16xi32>
    %add3A_205 = arith.constant 464 : i32
    %add3A_206 = vector.broadcast %add3A_205 : i32 to vector<16xi32>
    %add3A_207 = arith.addi %iota3A_204, %add3A_206 : vector<16xi32>
    %gather3A_208 = tpu.vector_load_idx %arg4[%add3A_207, %broadcast_in_dim3A_3] : memref<512x100xf32, #tpu.memory_space<vmem>>[vector<16xi32>, vector<16xi32>], vector<16xf32>,
    %swap3A_209 = arith.constant 464 : index
    %swap3A_210 = tpu.vector_load %arg5[%swap3A_209] {strides = array<i32>} : memref<512xf32, #tpu.memory_space<vmem>>, vector<16xf32>,
    tpu.vector_store %arg5[%swap3A_209], %gather3A_208 {strides = array<i32>} : memref<512xf32, #tpu.memory_space<vmem>>, vector<16xf32>,
    %iota3A_211 = tpu.iota {dimensions = array<i32: 0>} : vector<16xi32>
    %add3A_212 = arith.constant 480 : i32
    %add3A_213 = vector.broadcast %add3A_212 : i32 to vector<16xi32>
    %add3A_214 = arith.addi %iota3A_211, %add3A_213 : vector<16xi32>
    %gather3A_215 = tpu.vector_load_idx %arg4[%add3A_214, %broadcast_in_dim3A_3] : memref<512x100xf32, #tpu.memory_space<vmem>>[vector<16xi32>, vector<16xi32>], vector<16xf32>,
    %swap3A_216 = arith.constant 480 : index
    %swap3A_217 = tpu.vector_load %arg5[%swap3A_216] {strides = array<i32>} : memref<512xf32, #tpu.memory_space<vmem>>, vector<16xf32>,
    tpu.vector_store %arg5[%swap3A_216], %gather3A_215 {strides = array<i32>} : memref<512xf32, #tpu.memory_space<vmem>>, vector<16xf32>,
    %iota3A_218 = tpu.iota {dimensions = array<i32: 0>} : vector<16xi32>
    %add3A_219 = arith.constant 496 : i32
    %add3A_220 = vector.broadcast %add3A_219 : i32 to vector<16xi32>
    %add3A_221 = arith.addi %iota3A_218, %add3A_220 : vector<16xi32>
    %gather3A_222 = tpu.vector_load_idx %arg4[%add3A_221, %broadcast_in_dim3A_3] : memref<512x100xf32, #tpu.memory_space<vmem>>[vector<16xi32>, vector<16xi32>], vector<16xf32>,
    %swap3A_223 = arith.constant 496 : index
    %swap3A_224 = tpu.vector_load %arg5[%swap3A_223] {strides = array<i32>} : memref<512xf32, #tpu.memory_space<vmem>>, vector<16xf32>,
    tpu.vector_store %arg5[%swap3A_223], %gather3A_222 {strides = array<i32>} : memref<512xf32, #tpu.memory_space<vmem>>, vector<16xf32>,
    "tpu.region"() ({
      %run_scoped3A = tpu.sem_alloc : memref<!tpu.dma_semaphore, #tpu.memory_space<semaphore_mem>>
      %dma_start3A = tpu.memref_slice %arg3[%mul3A_2] : memref<16384xf32, #tpu.memory_space<hbm>> -> memref<512xf32, #tpu.memory_space<hbm>>
      %dma_start3A_225 = tpu.memref_slice %arg3[%mul3A_2] : memref<16384xf32, #tpu.memory_space<hbm>> -> memref<512xf32, #tpu.memory_space<hbm>>
      tpu.enqueue_dma source(%arg5 : memref<512xf32, #tpu.memory_space<vmem>>) target(%dma_start3A_225 : memref<512xf32, #tpu.memory_space<hbm>>) target_semaphore(%run_scoped3A : memref<!tpu.dma_semaphore, #tpu.memory_space<semaphore_mem>>)
      %dma_wait3A = tpu.memref_slice %arg3[%mul3A_2] : memref<16384xf32, #tpu.memory_space<hbm>> -> memref<512xf32, #tpu.memory_space<hbm>>
      %dma_wait3A_226 = tpu.memref_slice %arg3[%mul3A_2] : memref<16384xf32, #tpu.memory_space<hbm>> -> memref<512xf32, #tpu.memory_space<hbm>>
      tpu.wait_dma2 semaphore(%run_scoped3A : memref<!tpu.dma_semaphore, #tpu.memory_space<semaphore_mem>>) src(%arg5 : memref<512xf32, #tpu.memory_space<vmem>>) dst(%dma_wait3A_226 : memref<512xf32, #tpu.memory_space<hbm>>)
      tpu.yield
    }) : () -> ()
    return
  }
}

</mosaic_0001>

<sc_bundles>
// kernel: kernel.3.cloned.1.call-start
scs
__scs_entry_jumppad:
0x0: {  	(pc) =	sbr.rel $0x88, $3  }
0x1: {  	(tag) =	ssettag $0x0;
	lr =	simm.s32 $0x1  }
0x2: {  	[smem:$0x3FA0] =	sst lr;
	_ =	strace $0xD0000000  }
0x3: {  	_ = 	snop  }
0x4: {  	_ = 	snop  }
0x5: {  	_ = 	snop  }
0x6: {  	_ = 	snop  }
0x7: {  	_ = 	snop  }
__scs_overlays_trampoline_lowered:
0x8: {  	[smem:$0x3FAF] =	sst s0  }
0x9: {  	[smem:$0x3FB0] =	sst s1  }
0xa: {  	[smem:$0x3FB1] =	sst s2  }
0xb: {  	[smem:$0x3FB2] =	sst s3  }
0xc: {  	[smem:$0x3FB3] =	sst s4  }
0xd: {  	[smem:$0x3FB4] =	sst s5  }
0xe: {  	[smem:$0x3FB5] =	sst s6  }
0xf: {  	[smem:$0x3FB6] =	sst s7  }
0x10: {  	[smem:$0x3FB7] =	sst s8  }
0x11: {  	[smem:$0x3FB8] =	sst s9;
	s0 =	simm.s32 @!p0 $0x0  }
0x12: {  	s1 =	sld [smem:$0x3F9E];
	s0 =	simm.s32 @p0 $0x1  }
0x13: {  	[smem:$0x3FB9] =	sst s0;
	s0 =	simm.s32 @!p1 $0x0  }
0x14: {  	s2 =	sld [smem:$0x3F9D];
	s0 =	simm.s32 @p1 $0x1  }
0x15: {  	[smem:$0x3FBA] =	sst s0;
	s0 =	simm.s32 @!p2 $0x0  }
0x16: {  	s3 =	sld [smem:$0x3FDB];
	s0 =	simm.s32 @p2 $0x1  }
0x17: {  	s4 =	simm.s32 $0x1BF5;
	[smem:$0x3FBC] =	sst s0  }
0x18: {  	s0 =	sld [smem:$0x3F9F];
	_ =	swait.ge [sflag:s4], $0x0  }
0x19: {  	s7 =	sld [smem:$0x3FA0]  }
0x1a: {  	s8 =	sadd.s32 $0xFFFFE003, lr  }
0x1b: {  	s9 =	sadd.s32 $0xFFFFFEF7, lr;
	s5 =	simm.s32 $0xFFFFFFFF;
	p2 =	slt.u32 s8, $0xFFFFF086  }
0x1c: {  	p1 =	slt.u32 s9, $0xF7A;
	s5 =	simm.s32 @!p2 $0x0  }
0x1d: {  	s5 =	simm.s32 @p1 $0x1;
	p0 =	seq.s32 s7, s2  }
0x1e: {  	s7 =	smul.u32 @!p0 $0xF7A, s2;
	p2 =	seq.s32 @!p0 s5, $0x0  }
0x1f: {  	s9 =	smul.u32 $0xF7A, s1;
	s8 =	simm.s32 @!p0 $0x1BF5;
	p2 =	por !p2, p0  }
0x20: {  	[sflag:s8] =	ssyncset.s32 @!p0 $0xFFFFF086;
	s6 =	sadd.s32 @!p0 s3, s7;
	s7 =	simm.s32 @!p0 $0x108  }
0x21: {  	s3 =	sadd.s32 s3, s9;
	s6 =	sadd.s32 @!p0 $0x88, s6;
	s7 =	simm.s32 @p2 $0x1082  }
0x22: {  	[simem:s7], [sflag:s8] =	dma.local @!p0 [hbm:s6], $0xF7A  }
0x23: {  	s9 =	sor.u32 $0xD0000000, s2;
	s6 =	simm.s32 $0x108;
	_ =	swait.ge @!p0 [sflag:s8], $0x0  }
0x24: {  	s3 =	sadd.s32 $0x88, s3;
	s6 =	simm.s32 @!p1 $0x1082;
	[sflag:s4] =	ssyncset.s32 $0xFFFFF086  }
0x25: {  	[simem:s6], [sflag:s4] =	dma.local [hbm:s3], $0xF7A  }
0x26: {  	[smem:$0x3FA0] =	sst s1;
	(tag) =	ssettag s2;
	_ =	strace s9  }
0x27: {  	s1 =	sld [smem:$0x3FB0]  }
0x28: {  	s2 =	sld [smem:$0x3FB1]  }
0x29: {  	s4 =	sld [smem:$0x3FB3]  }
0x2a: {  	p0 =	seq.s32 s5, $0x0;
	s5 =	sld [smem:$0x3FB4]  }
0x2b: {  	s6 =	sld [smem:$0x3FB5]  }
0x2c: {  	s7 =	sld [smem:$0x3FB6]  }
0x2d: {  	s3 =	simm.s32 $0x108;
	s8 =	sld [smem:$0x3FB7]  }
0x2e: {  	s3 =	simm.s32 @!p0 $0x1082;
	s9 =	sld [smem:$0x3FB8]  }
0x2f: {  	lr =	sadd.s32 s0, s3;
	s0 =	sld [smem:$0x3FAF]  }
0x30: {  	s3 =	sld [smem:$0x3FB2]  }
0x31: {  	[smem:$0x3FBB] =	sst s10  }
0x32: {  	s10 =	sld [smem:$0x3FB9];
	_ =	sdelay $0x3  }
0x33: {  	p0 =	seq.s32 s10, $0x1;
	s10 =	sld [smem:$0x3FBB];
	_ =	sdelay $0x3  }
0x34: {  	[smem:$0x3FBB] =	sst s10  }
0x35: {  	s10 =	sld [smem:$0x3FBA];
	_ =	sdelay $0x3  }
0x36: {  	p1 =	seq.s32 s10, $0x1;
	s10 =	sld [smem:$0x3FBB];
	_ =	sdelay $0x3  }
0x37: {  	[smem:$0x3FBB] =	sst s10  }
0x38: {  	s10 =	sld [smem:$0x3FBC]  }
0x39: {  	_ = 	snop;
	(pc) =	sbr.ind lr, $3  }
0x3a: {  	_ = 	snop  }
0x3b: {  	_ = 	snop  }
0x3c: {  	p2 =	seq.s32 s10, $0x1;
	s10 =	sld [smem:$0x3FBB]  }
0x3d: {  	_ =	shalt  }
0x3e: {  	_ =	shalt  }
0x3f: {  	_ =	shalt  }
0x40: {  	_ =	shalt  }
0x41: {  	_ =	shalt  }
0x42: {  	_ =	shalt  }
0x43: {  	_ =	shalt  }
0x44: {  	_ =	shalt  }
0x45: {  	_ =	shalt  }
0x46: {  	_ =	shalt  }
0x47: {  	_ =	shalt  }
0x48: {  	_ =	shalt  }
0x49: {  	_ =	shalt  }
0x4a: {  	_ =	shalt  }
0x4b: {  	_ =	shalt  }
0x4c: {  	_ =	shalt  }
0x4d: {  	_ =	shalt  }
0x4e: {  	_ =	shalt  }
0x4f: {  	_ =	shalt  }
0x50: {  	_ =	shalt  }
0x51: {  	_ =	shalt  }
0x52: {  	_ =	shalt  }
0x53: {  	_ =	shalt  }
0x54: {  	_ =	shalt  }
0x55: {  	_ =	shalt  }
0x56: {  	_ =	shalt  }
0x57: {  	_ =	shalt  }
0x58: {  	_ =	shalt  }
0x59: {  	_ =	shalt  }
0x5a: {  	_ =	shalt  }
0x5b: {  	_ =	shalt  }
0x5c: {  	_ =	shalt  }
0x5d: {  	_ =	shalt  }
0x5e: {  	_ =	shalt  }
0x5f: {  	_ =	shalt  }
0x60: {  	_ =	shalt  }
0x61: {  	_ =	shalt  }
0x62: {  	_ =	shalt  }
0x63: {  	_ =	shalt  }
0x64: {  	_ =	shalt  }
0x65: {  	_ =	shalt  }
0x66: {  	_ =	shalt  }
0x67: {  	_ =	shalt  }
0x68: {  	_ =	shalt  }
0x69: {  	_ =	shalt  }
0x6a: {  	_ =	shalt  }
0x6b: {  	_ =	shalt  }
0x6c: {  	_ =	shalt  }
0x6d: {  	_ =	shalt  }
0x6e: {  	_ =	shalt  }
0x6f: {  	_ =	shalt  }
0x70: {  	_ =	shalt  }
0x71: {  	_ =	shalt  }
0x72: {  	_ =	shalt  }
0x73: {  	_ =	shalt  }
0x74: {  	_ =	shalt  }
0x75: {  	_ =	shalt  }
0x76: {  	_ =	shalt  }
0x77: {  	_ =	shalt  }
0x78: {  	_ =	shalt  }
0x79: {  	_ =	shalt  }
0x7a: {  	_ =	shalt  }
0x7b: {  	_ =	shalt  }
0x7c: {  	_ =	shalt  }
0x7d: {  	_ =	shalt  }
0x7e: {  	_ =	shalt  }
0x7f: {  	_ =	shalt  }
0x80: {  	_ =	shalt  }
0x81: {  	_ =	shalt  }
0x82: {  	_ =	shalt  }
0x83: {  	_ =	shalt  }
0x84: {  	_ =	shalt  }
0x85: {  	_ =	shalt  }
0x86: {  	_ =	shalt  }
0x87: {  	_ =	shalt  }
.Lfunc_end0:
.L_simem_size_0:
called_computation_lowered:
.L_overlay_start_0:
0x88: {  	s2 =	sld [smem:$0x3FD9]  }
0x89: {  	s3 =	sld [smem:$0x3FFE];
	_ =	sdelay $0x1  }
0x8a: {  	s1 =	srdreg.scid  }
0x8b: {  	s0 =	sand.u32 $0x1, s1  }
0x8c: {  	s17 =	sshll.u32 s0, $0xA;
	s2 =	sadd.s32 s3, s2  }
0x8d: {  	s2 =	sadd.s32 s2, s17  }
0x8e: {  	[smem:$0x3FC7] =	sst s2  }
0x8f: {  	_ = 	snop  }
0x90: {  	s2 =	sld [smem:$0x3FD0];
	(tm) =	ssettm $0x1  }
0x91: {  	s18 =	sld [smem:$0x3FFB];
	_ =	sdelay $0x3  }
0x92: {  	_ =	strace s18  }
0x93: {  	s3 =	sld [smem:$0x3FFC];
	_ =	sdelay $0x3  }
0x94: {  	_ =	strace s3  }
0x95: {  	s3 =	sld [smem:$0x3FFD];
	_ =	sdelay $0x3  }
0x96: {  	_ =	strace s3  }
0x97: {  	_ =	strace $0x8FFFFFFF  }
0x98: {  	s19 =	sld [smem:$0x3FDB];
	_ =	sdelay $0x1  }
0x99: {  	s4 =	simm.s32 $_scs_section_size  }
0x9a: {  	s5 =	simm.s32 $_size__tile_overlayer_lowered;
	s6 =	simm.s32 $_tile_overlayer_lowered  }
0x9b: {  	s22 =	simm.s32 $0x1BFF;
	s21 =	sshll.u32 s6, $0x1;
	s3 =	sadd.s32 s4, s19  }
0x9c: {  	s7 =	simm.s32 $0x0;
	s20 =	sshll.u32 s5, $0x1;
	s5 =	sadd.s32 s21, s3  }
0x9d: {  	[timem:s7], [sflag:s22] =	dma.local [hbm:s5], s20  }
0x9e: {  	_ =	swait.ge [sflag:s22], s20  }
0x9f: {  	s4 =	ssub.s32 $0x0, s20;
	[sflag:s22] =	ssyncset.done $0x0  }
0xa0: {  	[sflag:s22] =	ssyncadd.s32 s4;
	_ =	sdelay $0x1  }
0xa1: {  	s23 =	simm.s32 $0x1B8B  }
0xa2: {  	_ =	swait.ge [sflag:s23], $0x1  }
0xa3: {  	[sflag:s23] =	ssyncset.done $0x0  }
0xa4: {  	s25 =	simm.s32 $0x1B8E;
	s24 =	sld [smem:$0x3FFE];
	[sflag:s23] =	ssyncadd.s32 $0xFFFFFFFF  }
0xa5: {  	s26 =	simm.s32 $execute0_lowered;
	[smem:$0x3FD2] =	sst s25  }
0xa6: {  	s5 =	sshll.u32 s26, $0x1;
	_ =	strace $0x80000046;
	[dreg:$0x1] =	wrdreg $0xFFFFFFFF  }
0xa7: {  	s28 =	simm.s32 $_size_execute0_lowered;
	s3 =	sadd.s32 s3, s5;
	[dreg:$0x0] =	wrdreg $0x0  }
0xa8: {  	s5 =	sshll.u32 s28, $0x1;
	[dreg:$0x2] =	wrdreg s3  }
0xa9: {  	[dreg:$0x3] =	wrdreg s5  }
0xaa: {  	[dreg:$0x4] =	wrdreg $0xC0  }
0xab: {  	_ =	task [dreg:s7], $0x5FFFF  }
0xac: {  	[dreg:$0x1] =	wrdreg $0xFFFFFFFF  }
0xad: {  	[dreg:$0x0] =	wrdreg $0x60  }
0xae: {  	[dreg:$0x2] =	wrdreg s24  }
0xaf: {  	[dreg:$0x3] =	wrdreg s2  }
0xb0: {  	[dreg:$0x4] =	wrdreg $0x9  }
0xb1: {  	_ =	task.clear_ibuf [dreg:s7], $0x5FFFF;
	_ =	strace $0x90000046  }
0xb2: {  	s29 =	simm.s32 $0x9;
	_ =	strace $0x80000048  }
0xb3: {  	_ =	swait.ge [sflag:s29], $0x1  }
0xb4: {  	[sflag:s29] =	ssyncadd.s32 $0xFFFFFFFF  }
0xb5: {  	_ =	strace $0x90000048  }
0xb6: {  	_ =	sfence  }
0xb7: {  	s30 =	sld [smem:$0x0];
	_ =	sdelay $0x2  }
0xb8: {  	s31 =	sshll.u32 s1, $0xD;
	s1 =	sshrl.u32 s1, $0x2  }
0xb9: {  	s3 =	sand.u32 $0x4000, s31;
	s1 =	sadd.s32 s1, s30  }
0xba: {  	s0 =	sor.u32 s3, s0;
	s1 =	sshll.u32 s1, $0x11  }
0xbb: {  	s0 =	sor.u32 s1, s0  }
0xbc: {  	s0 =	sadd.s32 $0x8F2B, s0  }
0xbd: {  	[sflag:s0] =	ssyncadd.remote.s32 $0x1  }
0xbe: {  	_ =	sfence.sel $0xFFFF  }
0xbf: {  	[dreg:$0x0] =	wrdreg $0xFFFFFFFF;
	(pc) =	sbr.abs _section_cstart, $3  }
0xc0: {  	[dreg:$0x1] =	wrdreg $0xFFFFFFFF  }
0xc1: {  	_ =	task.clear_ibuf [dreg:s7], $0x2FFFF;
	_ =	strace $0x9FFFFFFF  }
0xc2: {  	(tm) =	ssettm $0x7FFFFFFF  }
0xc3: {  	_ =	shalt  }
tec
execute0_lowered:
.L_overlay_start_1:
0x0: {  	(tag) =	ssettag $0x1  }
0x1: {  	s1 =	srdreg.scid  }
0x2: {  	s0 =	stileid.u32;
	s6 =	sand.u32 $0x1, s1  }
0x3: {  	s3 =	rddreg [dreg:$0x0];
	s30 =	sshll.u32 s0, $0xA;
	s2 =	sshll.u32 s6, $0x9  }
0x4: {  	s5 =	rddreg [dreg:$0x1];
	v0 =	vlaneseq.u32;
	s7 =	sor.u32 s2, s30  }
0x5: {  	s1 =	rddreg [dreg:$0x2];
	v31 =	vmul.u32 $0x80, v0;
	s2 =	simm.s32 $0x0;
	s4 =	sshll.u32 s7, $0x4  }
0x6: {  	[smem:$0x7FF] =	sst s2;
	s3 =	sadd.s32 s4, s3  }
0x7: {  	v0 =	vor.u32 $0x2A, v31;
	_ =	strace $0x80000047;
	s4 =	sadd.s32 $0x400, s3;
	s3 =	simm.s32 $0x1  }
0x8: {  	[tilespmem:s2], [sflag:$0x1] =	stream.linear.gather [hbm4b:s4+s2], $0x10000, $0x38;
	[tilespmem:$0x10200] =	vst v63  }
0x9: {  	_ =	swait.ge [sflag:s3], $0x10000  }
0xa: {  	[sflag:s3] =	ssyncset.done $0x0  }
0xb: {  	[sflag:s3] =	ssyncadd.s32 $0xFFFF0000  }
0xc: {  	v2 =	vld.idx.msk [tilespmem:v0+s2+$0x0], $0xffff  }
0xd: {  	v1 =	vor.u32 $0x82A, v31;
	_ =	sdelay $0x3  }
0xe: {  	[tilespmem:$0x10000] =	vst v2  }
0xf: {  	v3 =	vld.idx.msk [tilespmem:v1+s2+$0x0], $0xffff  }
0x10: {  	v2 =	vor.u32 $0x102A, v31;
	_ =	sdelay $0x3  }
0x11: {  	[tilespmem:$0x10010] =	vst v3  }
0x12: {  	v4 =	vld.idx.msk [tilespmem:v2+s2+$0x0], $0xffff  }
0x13: {  	v3 =	vor.u32 $0x182A, v31;
	_ =	sdelay $0x3  }
0x14: {  	[tilespmem:$0x10020] =	vst v4  }
0x15: {  	v5 =	vld.idx.msk [tilespmem:v3+s2+$0x0], $0xffff  }
0x16: {  	v4 =	vor.u32 $0x202A, v31;
	_ =	sdelay $0x3  }
0x17: {  	[tilespmem:$0x10030] =	vst v5  }
0x18: {  	v6 =	vld.idx.msk [tilespmem:v4+s2+$0x0], $0xffff  }
0x19: {  	v5 =	vor.u32 $0x282A, v31;
	_ =	sdelay $0x3  }
0x1a: {  	[tilespmem:$0x10040] =	vst v6  }
0x1b: {  	v7 =	vld.idx.msk [tilespmem:v5+s2+$0x0], $0xffff  }
0x1c: {  	v6 =	vor.u32 $0x302A, v31;
	_ =	sdelay $0x3  }
0x1d: {  	[tilespmem:$0x10050] =	vst v7  }
0x1e: {  	v8 =	vld.idx.msk [tilespmem:v6+s2+$0x0], $0xffff  }
0x1f: {  	v7 =	vor.u32 $0x382A, v31;
	_ =	sdelay $0x3  }
0x20: {  	[tilespmem:$0x10060] =	vst v8  }
0x21: {  	v9 =	vld.idx.msk [tilespmem:v7+s2+$0x0], $0xffff  }
0x22: {  	v8 =	vor.u32 $0x402A, v31;
	_ =	sdelay $0x3  }
0x23: {  	[tilespmem:$0x10070] =	vst v9  }
0x24: {  	v10 =	vld.idx.msk [tilespmem:v8+s2+$0x0], $0xffff  }
0x25: {  	v9 =	vor.u32 $0x482A, v31;
	_ =	sdelay $0x3  }
0x26: {  	[tilespmem:$0x10080] =	vst v10  }
0x27: {  	v11 =	vld.idx.msk [tilespmem:v9+s2+$0x0], $0xffff  }
0x28: {  	v10 =	vor.u32 $0x502A, v31;
	_ =	sdelay $0x3  }
0x29: {  	[tilespmem:$0x10090] =	vst v11  }
0x2a: {  	v12 =	vld.idx.msk [tilespmem:v10+s2+$0x0], $0xffff  }
0x2b: {  	v11 =	vor.u32 $0x582A, v31;
	_ =	sdelay $0x3  }
0x2c: {  	[tilespmem:$0x100A0] =	vst v12  }
0x2d: {  	v13 =	vld.idx.msk [tilespmem:v11+s2+$0x0], $0xffff  }
0x2e: {  	v12 =	vor.u32 $0x602A, v31;
	_ =	sdelay $0x3  }
0x2f: {  	[tilespmem:$0x100B0] =	vst v13  }
0x30: {  	v14 =	vld.idx.msk [tilespmem:v12+s2+$0x0], $0xffff  }
0x31: {  	v13 =	vor.u32 $0x682A, v31;
	_ =	sdelay $0x3  }
0x32: {  	[tilespmem:$0x100C0] =	vst v14  }
0x33: {  	v15 =	vld.idx.msk [tilespmem:v13+s2+$0x0], $0xffff  }
0x34: {  	v14 =	vor.u32 $0x702A, v31;
	_ =	sdelay $0x3  }
0x35: {  	[tilespmem:$0x100D0] =	vst v15  }
0x36: {  	v16 =	vld.idx.msk [tilespmem:v14+s2+$0x0], $0xffff  }
0x37: {  	v15 =	vor.u32 $0x782A, v31;
	_ =	sdelay $0x3  }
0x38: {  	[tilespmem:$0x100E0] =	vst v16  }
0x39: {  	v17 =	vld.idx.msk [tilespmem:v15+s2+$0x0], $0xffff  }
0x3a: {  	v16 =	vor.u32 $0x802A, v31;
	_ =	sdelay $0x3  }
0x3b: {  	[tilespmem:$0x100F0] =	vst v17  }
0x3c: {  	v18 =	vld.idx.msk [tilespmem:v16+s2+$0x0], $0xffff  }
0x3d: {  	v17 =	vor.u32 $0x882A, v31;
	_ =	sdelay $0x3  }
0x3e: {  	[tilespmem:$0x10100] =	vst v18  }
0x3f: {  	v19 =	vld.idx.msk [tilespmem:v17+s2+$0x0], $0xffff  }
0x40: {  	v18 =	vor.u32 $0x902A, v31;
	_ =	sdelay $0x3  }
0x41: {  	[tilespmem:$0x10110] =	vst v19  }
0x42: {  	v20 =	vld.idx.msk [tilespmem:v18+s2+$0x0], $0xffff  }
0x43: {  	v19 =	vor.u32 $0x982A, v31;
	_ =	sdelay $0x3  }
0x44: {  	[tilespmem:$0x10120] =	vst v20  }
0x45: {  	v21 =	vld.idx.msk [tilespmem:v19+s2+$0x0], $0xffff  }
0x46: {  	v20 =	vor.u32 $0xA02A, v31;
	_ =	sdelay $0x3  }
0x47: {  	[tilespmem:$0x10130] =	vst v21  }
0x48: {  	v22 =	vld.idx.msk [tilespmem:v20+s2+$0x0], $0xffff  }
0x49: {  	v21 =	vor.u32 $0xA82A, v31;
	_ =	sdelay $0x3  }
0x4a: {  	[tilespmem:$0x10140] =	vst v22  }
0x4b: {  	v23 =	vld.idx.msk [tilespmem:v21+s2+$0x0], $0xffff  }
0x4c: {  	v22 =	vor.u32 $0xB02A, v31;
	_ =	sdelay $0x3  }
0x4d: {  	[tilespmem:$0x10150] =	vst v23  }
0x4e: {  	v24 =	vld.idx.msk [tilespmem:v22+s2+$0x0], $0xffff  }
0x4f: {  	v23 =	vor.u32 $0xB82A, v31;
	_ =	sdelay $0x3  }
0x50: {  	[tilespmem:$0x10160] =	vst v24  }
0x51: {  	v25 =	vld.idx.msk [tilespmem:v23+s2+$0x0], $0xffff  }
0x52: {  	v24 =	vor.u32 $0xC02A, v31;
	_ =	sdelay $0x3  }
0x53: {  	[tilespmem:$0x10170] =	vst v25  }
0x54: {  	v26 =	vld.idx.msk [tilespmem:v24+s2+$0x0], $0xffff  }
0x55: {  	v25 =	vor.u32 $0xC82A, v31;
	_ =	sdelay $0x3  }
0x56: {  	[tilespmem:$0x10180] =	vst v26  }
0x57: {  	v27 =	vld.idx.msk [tilespmem:v25+s2+$0x0], $0xffff  }
0x58: {  	v26 =	vor.u32 $0xD02A, v31;
	_ =	sdelay $0x3  }
0x59: {  	[tilespmem:$0x10190] =	vst v27  }
0x5a: {  	v28 =	vld.idx.msk [tilespmem:v26+s2+$0x0], $0xffff  }
0x5b: {  	v27 =	vor.u32 $0xD82A, v31;
	_ =	sdelay $0x3  }
0x5c: {  	[tilespmem:$0x101A0] =	vst v28  }
0x5d: {  	v29 =	vld.idx.msk [tilespmem:v27+s2+$0x0], $0xffff  }
0x5e: {  	v28 =	vor.u32 $0xE02A, v31;
	_ =	sdelay $0x3  }
0x5f: {  	[tilespmem:$0x101B0] =	vst v29  }
0x60: {  	v30 =	vld.idx.msk [tilespmem:v28+s2+$0x0], $0xffff  }
0x61: {  	v29 =	vor.u32 $0xE82A, v31;
	_ =	sdelay $0x3  }
0x62: {  	[tilespmem:$0x101C0] =	vst v30  }
0x63: {  	v32 =	vld.idx.msk [tilespmem:v29+s2+$0x0], $0xffff  }
0x64: {  	v30 =	vor.u32 $0xF02A, v31;
	_ =	sdelay $0x3  }
0x65: {  	[tilespmem:$0x101D0] =	vst v32  }
0x66: {  	v32 =	vld.idx.msk [tilespmem:v30+s2+$0x0], $0xffff  }
0x67: {  	v31 =	vor.u32 $0xF82A, v31;
	_ =	sdelay $0x3  }
0x68: {  	s6 =	ssub.s32 $0x2, s6;
	[tilespmem:$0x101E0] =	vst v32  }
0x69: {  	s8 =	sshrl.u32 s6, $0x1;
	v32 =	vld.idx.msk [tilespmem:v31+s2+$0x0], $0xffff  }
0x6a: {  	s6 =	ssub.s32 s6, s8  }
0x6b: {  	s31 =	smax.u32 s6, $0x1  }
0x6c: {  	p0 =	sne.s32 s31, $0x1  }
.Ltmp0:
0x6d: {  	s7 =	sshrl.u32 s7, $0x3;
	(pc) =	sbr.rel @!p0 .LBB2_2-.Ltmp0, $4  }
0x6e: {  	s5 =	sadd.s32 s5, s7;
	s6 =	simm.s32 $0x10000;
	[tilespmem:$0x101F0] =	vst v32  }
0x6f: {  	[hbm4b:s5+s2] =	stream.linear.scatter [tilespmem:s6], [sflag:$0x1], $0x200, $0x38;
	[tilespmem:$0x10200] =	vst v63  }
0x70: {  	_ =	swait.ge [sflag:s3], $0x200  }
0x71: {  	s7 =	sadd.s32 $0xFFFFFFFF, s31;
	[sflag:s3] =	ssyncset.done $0x0  }
.LBB2_1:
0x72: {  	p0 =	sne.s32 s7, $0x1;
	s7 =	sadd.s32 $0xFFFFFFFF, s7;
	[sflag:s3] =	ssyncadd.s32 $0xFFFFFE00  }
0x73: {  	[tilespmem:s2], [sflag:$0x1] =	stream.linear.gather [hbm4b:s4+s2], $0x10000, $0x38;
	[tilespmem:$0x10200] =	vst v63  }
0x74: {  	_ =	swait.ge [sflag:s3], $0x10000  }
0x75: {  	[sflag:s3] =	ssyncset.done $0x0  }
0x76: {  	[sflag:s3] =	ssyncadd.s32 $0xFFFF0000  }
0x77: {  	v32 =	vld.idx.msk [tilespmem:v0+s2+$0x0], $0xffff;
	_ =	sdelay $0x5  }
0x78: {  	[tilespmem:$0x10000] =	vst v32  }
0x79: {  	v32 =	vld.idx.msk [tilespmem:v1+s2+$0x0], $0xffff;
	_ =	sdelay $0x5  }
0x7a: {  	[tilespmem:$0x10010] =	vst v32  }
0x7b: {  	v32 =	vld.idx.msk [tilespmem:v2+s2+$0x0], $0xffff;
	_ =	sdelay $0x5  }
0x7c: {  	[tilespmem:$0x10020] =	vst v32  }
0x7d: {  	v32 =	vld.idx.msk [tilespmem:v3+s2+$0x0], $0xffff;
	_ =	sdelay $0x5  }
0x7e: {  	[tilespmem:$0x10030] =	vst v32  }
0x7f: {  	v32 =	vld.idx.msk [tilespmem:v4+s2+$0x0], $0xffff;
	_ =	sdelay $0x5  }
0x80: {  	[tilespmem:$0x10040] =	vst v32  }
0x81: {  	v32 =	vld.idx.msk [tilespmem:v5+s2+$0x0], $0xffff;
	_ =	sdelay $0x5  }
0x82: {  	[tilespmem:$0x10050] =	vst v32  }
0x83: {  	v32 =	vld.idx.msk [tilespmem:v6+s2+$0x0], $0xffff;
	_ =	sdelay $0x5  }
0x84: {  	[tilespmem:$0x10060] =	vst v32  }
0x85: {  	v32 =	vld.idx.msk [tilespmem:v7+s2+$0x0], $0xffff;
	_ =	sdelay $0x5  }
0x86: {  	[tilespmem:$0x10070] =	vst v32  }
0x87: {  	v32 =	vld.idx.msk [tilespmem:v8+s2+$0x0], $0xffff;
	_ =	sdelay $0x5  }
0x88: {  	[tilespmem:$0x10080] =	vst v32  }
0x89: {  	v32 =	vld.idx.msk [tilespmem:v9+s2+$0x0], $0xffff;
	_ =	sdelay $0x5  }
0x8a: {  	[tilespmem:$0x10090] =	vst v32  }
0x8b: {  	v32 =	vld.idx.msk [tilespmem:v10+s2+$0x0], $0xffff;
	_ =	sdelay $0x5  }
0x8c: {  	[tilespmem:$0x100A0] =	vst v32  }
0x8d: {  	v32 =	vld.idx.msk [tilespmem:v11+s2+$0x0], $0xffff;
	_ =	sdelay $0x5  }
0x8e: {  	[tilespmem:$0x100B0] =	vst v32  }
0x8f: {  	v32 =	vld.idx.msk [tilespmem:v12+s2+$0x0], $0xffff;
	_ =	sdelay $0x5  }
0x90: {  	[tilespmem:$0x100C0] =	vst v32  }
0x91: {  	v32 =	vld.idx.msk [tilespmem:v13+s2+$0x0], $0xffff;
	_ =	sdelay $0x5  }
0x92: {  	[tilespmem:$0x100D0] =	vst v32  }
0x93: {  	v32 =	vld.idx.msk [tilespmem:v14+s2+$0x0], $0xffff;
	_ =	sdelay $0x5  }
0x94: {  	[tilespmem:$0x100E0] =	vst v32  }
0x95: {  	v32 =	vld.idx.msk [tilespmem:v15+s2+$0x0], $0xffff;
	_ =	sdelay $0x5  }
0x96: {  	[tilespmem:$0x100F0] =	vst v32  }
0x97: {  	v32 =	vld.idx.msk [tilespmem:v16+s2+$0x0], $0xffff;
	_ =	sdelay $0x5  }
0x98: {  	[tilespmem:$0x10100] =	vst v32  }
0x99: {  	v32 =	vld.idx.msk [tilespmem:v17+s2+$0x0], $0xffff;
	_ =	sdelay $0x5  }
0x9a: {  	[tilespmem:$0x10110] =	vst v32  }
0x9b: {  	v32 =	vld.idx.msk [tilespmem:v18+s2+$0x0], $0xffff;
	_ =	sdelay $0x5  }
0x9c: {  	[tilespmem:$0x10120] =	vst v32  }
0x9d: {  	v32 =	vld.idx.msk [tilespmem:v19+s2+$0x0], $0xffff;
	_ =	sdelay $0x5  }
0x9e: {  	[tilespmem:$0x10130] =	vst v32  }
0x9f: {  	v32 =	vld.idx.msk [tilespmem:v20+s2+$0x0], $0xffff;
	_ =	sdelay $0x5  }
0xa0: {  	[tilespmem:$0x10140] =	vst v32  }
0xa1: {  	v32 =	vld.idx.msk [tilespmem:v21+s2+$0x0], $0xffff;
	_ =	sdelay $0x5  }
0xa2: {  	[tilespmem:$0x10150] =	vst v32  }
0xa3: {  	v32 =	vld.idx.msk [tilespmem:v22+s2+$0x0], $0xffff;
	_ =	sdelay $0x5  }
0xa4: {  	[tilespmem:$0x10160] =	vst v32  }
0xa5: {  	v32 =	vld.idx.msk [tilespmem:v23+s2+$0x0], $0xffff;
	_ =	sdelay $0x5  }
0xa6: {  	[tilespmem:$0x10170] =	vst v32  }
0xa7: {  	v32 =	vld.idx.msk [tilespmem:v24+s2+$0x0], $0xffff;
	_ =	sdelay $0x5  }
0xa8: {  	[tilespmem:$0x10180] =	vst v32  }
0xa9: {  	v32 =	vld.idx.msk [tilespmem:v25+s2+$0x0], $0xffff;
	_ =	sdelay $0x5  }
0xaa: {  	[tilespmem:$0x10190] =	vst v32  }
0xab: {  	v32 =	vld.idx.msk [tilespmem:v26+s2+$0x0], $0xffff;
	_ =	sdelay $0x5  }
0xac: {  	[tilespmem:$0x101A0] =	vst v32  }
0xad: {  	v32 =	vld.idx.msk [tilespmem:v27+s2+$0x0], $0xffff;
	_ =	sdelay $0x5  }
0xae: {  	[tilespmem:$0x101B0] =	vst v32  }
0xaf: {  	v32 =	vld.idx.msk [tilespmem:v28+s2+$0x0], $0xffff;
	_ =	sdelay $0x5  }
0xb0: {  	[tilespmem:$0x101C0] =	vst v32  }
0xb1: {  	v32 =	vld.idx.msk [tilespmem:v29+s2+$0x0], $0xffff;
	_ =	sdelay $0x5  }
0xb2: {  	[tilespmem:$0x101D0] =	vst v32  }
0xb3: {  	v32 =	vld.idx.msk [tilespmem:v30+s2+$0x0], $0xffff;
	_ =	sdelay $0x5  }
0xb4: {  	[tilespmem:$0x101E0] =	vst v32  }
0xb5: {  	v32 =	vld.idx.msk [tilespmem:v31+s2+$0x0], $0xffff;
	_ =	sdelay $0x4  }
.Ltmp1:
0xb6: {  	(pc) =	sbr.rel @p0 .LBB2_1-.Ltmp1, $4  }
0xb7: {  	[tilespmem:$0x101F0] =	vst v32  }
0xb8: {  	[hbm4b:s5+s2] =	stream.linear.scatter [tilespmem:s6], [sflag:$0x1], $0x200, $0x38;
	[tilespmem:$0x10200] =	vst v63  }
0xb9: {  	_ =	swait.ge [sflag:s3], $0x200  }
0xba: {  	[sflag:s3] =	ssyncset.done $0x0  }
.LBB2_2:
0xbb: {  	[sflag:s3] =	ssyncadd.s32 $0xFFFFFE00  }
0xbc: {  	_ =	sfence.sel $0x180000  }
0xbd: {  	[bflag:$0x0] =	sbarrier.arrive $0xFFFF  }
0xbe: {  	p0 =	sne.s32 s0, $0x0;
	_ =	strace $0x90000047  }
0xbf: {  	s0 =	sadd.s32 @!p0 $0x100000, s1;
	[bflag:$0x2] =	sbarrier.arrive $0xFFFF  }
0xc0: {  	[sflag:s0] =	ssyncadd.tile.s32 @!p0 $0x1;
	_ =	shalt  }
.Lfunc_end2:
_tile_overlayer_lowered:
.L_overlay_start_2:
0xc1: {  	(tag) =	ssettag $0x2  }
0xc2: {  	s0 =	rddreg [dreg:$0x0];
	s2 =	stileid.u32  }
0xc3: {  	s1 =	rddreg [dreg:$0x1];
	p0 =	sne.s32 s2, $0x0  }
0xc4: {  	s3 =	rddreg [dreg:$0x2];
	[bflag:$0x3] =	sbarrier.arrive $0xFFFF;
	s2 =	simm.s32 @!p0 $0x1C01  }
0xc5: {  	[timem:s3], [sflag:s2] =	dma.local @!p0 [hbm:s0], s1  }
0xc6: {  	s0 =	simm.s32 @!p0 $0x1  }
0xc7: {  	_ =	swait.ge @!p0 [sflag:s0], s1  }
0xc8: {  	s1 =	ssub.s32 @!p0 $0x0, s1;
	[sflag:s0] =	ssyncset.done @!p0 $0x0  }
0xc9: {  	[sflag:s0] =	ssyncadd.s32 @!p0 s1  }
0xca: {  	[bflag:$0x3] =	sbarrier.arrive $0xFFFF  }
0xcb: {  	_ =	shalt  }

</sc_bundles>
